<compile_context>
chip_gen: v7x
topology: tpu7x:2x2x1
jax: 0.10.2.dev20260603
libtpu: 0.0.44.dev20260713+nightly
codegen_flags: <defaults>
</compile_context>

<pallas_src>
import functools

import jax
import jax.numpy as jnp
from jax import lax
from jax.experimental import pallas as pl
from jax.experimental.pallas import tpu as pltpu
from jax.experimental.pallas import tpu_sc as plsc


def _vq_dist_kernel(z_ref, w_ref, zsq_ref, wsq_ref, logits_ref, idx_ref,
                    best_ref, bidx_ref, *, bm, bk, k_tiles):
    ki = pl.program_id(0)
    mi = pl.program_id(1)
    z = z_ref[...]
    w = w_ref[...]
    msl = pl.ds(mi * bm, bm)

    zsq = zsq_ref[...][:, None]
    wsq = wsq_ref[...]
    mm = lax.dot_general(z, w, (((1,), (1,)), ((), ())),
                         preferred_element_type=jnp.float32)
    logits = 2.0 * mm - (zsq + wsq[None, :])
    logits_ref[...] = logits

    rowmax = jnp.max(logits, axis=1)
    cols = lax.broadcasted_iota(jnp.int32, (bm, bk), 1)
    sentinel = jnp.int32(2**30)
    rowarg = jnp.min(jnp.where(logits == rowmax[:, None], cols, sentinel),
                     axis=1) + ki * bk

    @pl.when(ki == 0)
    def _():
        best_ref[msl] = rowmax
        bidx_ref[msl] = rowarg

    @pl.when(ki > 0)
    def _():
        prev = best_ref[msl]
        pidx = bidx_ref[msl]
        better = rowmax > prev
        best_ref[msl] = jnp.where(better, rowmax, prev)
        bidx_ref[msl] = jnp.where(better, rowarg, pidx)

    @pl.when(ki == k_tiles - 1)
    def _():
        idx_ref[...] = bidx_ref[msl].reshape(1, 1, bm)


def _vq_distances(z_flat, W, bm=512, bk=4096):
    M, d = z_flat.shape
    K = W.shape[0]
    m_tiles = M // bm
    k_tiles = K // bk
    zsq = jnp.sum(z_flat * z_flat, axis=1)
    wsq = jnp.sum(W * W, axis=1)
    logits, idx3 = pl.pallas_call(
        functools.partial(_vq_dist_kernel, bm=bm, bk=bk, k_tiles=k_tiles),
        grid=(k_tiles, m_tiles),
        in_specs=[
            pl.BlockSpec((bm, d), lambda ki, mi: (mi, 0)),
            pl.BlockSpec((bk, d), lambda ki, mi: (ki, 0)),
            pl.BlockSpec((bm,), lambda ki, mi: (mi,)),
            pl.BlockSpec((bk,), lambda ki, mi: (ki,)),
        ],
        out_specs=[
            pl.BlockSpec((bm, bk), lambda ki, mi: (mi, ki)),
            pl.BlockSpec((1, 1, bm), lambda ki, mi: (mi, 0, 0)),
        ],
        out_shape=[
            jax.ShapeDtypeStruct((M, K), jnp.float32),
            jax.ShapeDtypeStruct((m_tiles, 1, bm), jnp.int32),
        ],
        scratch_shapes=[
            pltpu.VMEM((M,), jnp.float32),
            pltpu.VMEM((M,), jnp.int32),
        ],
        compiler_params=pltpu.CompilerParams(
            dimension_semantics=("arbitrary", "parallel"),
            vmem_limit_bytes=110 * 1024 * 1024,
        ),
    )(z_flat, W, zsq, wsq)
    return logits, idx3.reshape(M)


def _sc_gather(table, indices, chunk=48):
    B = indices.shape[0]
    V, D = table.shape
    info = plsc.get_sparse_core_info()
    nw = info.num_cores * info.num_subcores
    b_per_w = B // nw
    n_chunks = b_per_w // chunk
    mesh = plsc.VectorSubcoreMesh(core_axis_name="c", subcore_axis_name="s")

    @functools.partial(
        pl.kernel,
        out_type=jax.ShapeDtypeStruct((B, D), jnp.float32),
        mesh=mesh,
        scratch_types=[
            pltpu.VMEM((b_per_w,), jnp.int32),
            pltpu.VMEM((2, chunk, D), jnp.float32),
            pltpu.SemaphoreType.DMA,
            pltpu.SemaphoreType.DMA,
        ],
    )
    def gather_kernel(table_hbm, idx_hbm, out_hbm, idx_v, rows_v, sem0, sem1):
        wid = lax.axis_index("s") * info.num_cores + lax.axis_index("c")
        base = wid * b_per_w
        pltpu.sync_copy(idx_hbm.at[pl.ds(base, b_per_w)], idx_v)
        sems = [sem0, sem1]
        copies = [None, None]
        for c in range(n_chunks):
            buf = c % 2
            copies[buf] = pltpu.make_async_copy(
                table_hbm.at[idx_v.at[pl.ds(c * chunk, chunk)]],
                rows_v.at[buf], sems[buf])
            copies[buf].start()
            if c > 0:
                prev = (c - 1) % 2
                copies[prev].wait()
                pltpu.sync_copy(rows_v.at[prev],
                                out_hbm.at[pl.ds(base + (c - 1) * chunk, chunk)])
        last = (n_chunks - 1) % 2
        copies[last].wait()
        pltpu.sync_copy(rows_v.at[last],
                        out_hbm.at[pl.ds(base + (n_chunks - 1) * chunk, chunk)])

    return gather_kernel(table, indices)


def kernel(z, W):
    batch, seq, d = z.shape
    K = W.shape[0]
    z_flat = z.reshape(-1, d)
    logits_flat, indices = _vq_distances(z_flat, W)
    quantized = _sc_gather(W, indices)
    quantized_st = quantized.reshape(batch, seq, d)
    loss = jnp.zeros((), jnp.float32)
    logits = logits_flat.reshape(batch, seq, K)
    indices_out = indices.reshape(batch, seq)
    return (quantized_st, indices_out, loss, logits)

# --- scband reference (transcript-rebuilt; emitter-appended) ---
"""Pipeline reference for scband-vector-quantizer-70617852281236 (READ-ONLY COPY).

The authoritative reference and input builder live on the scoring server;
editing this copy changes nothing except your own understanding.
"""

import jax, jax.numpy as jnp
import numpy as np

NUM_EMBEDDINGS = 8192
EMBEDDING_DIM = 1024
BATCH = 8
SEQ_LEN = 576


def setup_inputs(seed: int = 0) -> dict:
    key = jax.random.key(seed)
    k1, k2 = jax.random.split(key)
    z = jax.random.normal(k1, (BATCH, SEQ_LEN, EMBEDDING_DIM), dtype=jnp.float32)
    # Embedding table initialized uniform(-1/K, 1/K) like the torch module
    W = jax.random.uniform(k2, (NUM_EMBEDDINGS, EMBEDDING_DIM), dtype=jnp.float32,
                           minval=-1.0 / NUM_EMBEDDINGS, maxval=1.0 / NUM_EMBEDDINGS)
    return {"z": z, "W": W}


def reference(z, W):
    # Eval-mode forward of VectorQuantizer (training=False -> loss=0, no EMA update)
    batch_size, seq_len, dim = z.shape
    num_embeddings = W.shape[0]
    z_flat = z.reshape(-1, dim)
    distances = (jnp.sum(z_flat ** 2, axis=1, keepdims=True)
                 + jnp.sum(W ** 2, axis=1)
                 - 2.0 * jnp.matmul(z_flat, W.T))
    indices = jnp.argmin(distances, axis=1)
    quantized = jnp.take(W, indices, axis=0).reshape(batch_size, seq_len, dim)
    loss = jnp.array(0.0, dtype=jnp.float32)
    # straight-through estimator
    quantized_st = z + jax.lax.stop_gradient(quantized - z)
    logits = -distances.reshape(batch_size, seq_len, num_embeddings)
    indices_out = indices.reshape(batch_size, seq_len)
    return (quantized_st, indices_out, loss, logits)

if __name__ == "__main__":
    import jax
    _d = setup_inputs()
    print(jax.jit(kernel)(*tuple(_d.values())))

</pallas_src>

<mosaic_0001>
#map = affine_map<(d0, d1) -> (0, 0)>
#map1 = affine_map<(d0, d1) -> (0)>
module attributes {stable_mosaic.version = 14 : i64} {
  func.func @gather_kernel(%arg0: i32, %arg1: i32, %arg2: memref<8192x1024xf32, #tpu.memory_space<hbm>>, %arg3: memref<4608xi32, #tpu.memory_space<hbm>>, %arg4: memref<4608x1024xf32, #tpu.memory_space<hbm>>, %arg5: memref<144xi32, #tpu.memory_space<vmem>>, %arg6: memref<2x48x1024xf32, #tpu.memory_space<vmem>>, %arg7: memref<!tpu.dma_semaphore, #tpu.memory_space<semaphore_mem>>, %arg8: memref<!tpu.dma_semaphore, #tpu.memory_space<semaphore_mem>>) attributes {dimension_semantics = [#tpu.dimension_semantics<core_parallel>, #tpu.dimension_semantics<subcore_parallel>], iteration_bounds = array<i64: 2, 16>, scalar_prefetch = 0 : i64, scratch_operands = 4 : i64, tpu.core_type = #tpu.core_type<sc_vector_subcore>, window_params = [{transform_indices = #map}, {transform_indices = #map1}, {transform_indices = #map}]} {
    %mul3A = arith.constant 2 : i32
    %mul3A_0 = arith.muli %arg1, %mul3A : i32
    %add3A = arith.addi %mul3A_0, %arg0 : i32
    %mul3A_1 = arith.constant 144 : i32
    %mul3A_2 = arith.muli %add3A, %mul3A_1 : i32
    "tpu.region"() ({
      %run_scoped3A_69 = tpu.sem_alloc : memref<!tpu.dma_semaphore, #tpu.memory_space<semaphore_mem>>
      %dma_start3A_70 = tpu.memref_slice %arg3[%mul3A_2] : memref<4608xi32, #tpu.memory_space<hbm>> -> memref<144xi32, #tpu.memory_space<hbm>>
      %dma_start3A_71 = tpu.memref_slice %arg3[%mul3A_2] : memref<4608xi32, #tpu.memory_space<hbm>> -> memref<144xi32, #tpu.memory_space<hbm>>
      tpu.enqueue_dma source(%dma_start3A_71 : memref<144xi32, #tpu.memory_space<hbm>>) target(%arg5 : memref<144xi32, #tpu.memory_space<vmem>>) target_semaphore(%run_scoped3A_69 : memref<!tpu.dma_semaphore, #tpu.memory_space<semaphore_mem>>)
      %dma_wait3A_72 = tpu.memref_slice %arg3[%mul3A_2] : memref<4608xi32, #tpu.memory_space<hbm>> -> memref<144xi32, #tpu.memory_space<hbm>>
      %dma_wait3A_73 = tpu.memref_slice %arg3[%mul3A_2] : memref<4608xi32, #tpu.memory_space<hbm>> -> memref<144xi32, #tpu.memory_space<hbm>>
      tpu.wait_dma2 semaphore(%run_scoped3A_69 : memref<!tpu.dma_semaphore, #tpu.memory_space<semaphore_mem>>) src(%dma_wait3A_73 : memref<144xi32, #tpu.memory_space<hbm>>) dst(%arg5 : memref<144xi32, #tpu.memory_space<vmem>>)
      tpu.yield
    }) : () -> ()
    %dma_start3A = arith.constant 0 : i32
    %dma_start3A_3 = arith.constant 0 : i32
    %dma_start3A_4 = arith.constant 0 : i32
    %dma_start3A_5 = tpu.memref_slice %arg6[%dma_start3A, %dma_start3A_3, %dma_start3A_4] : memref<2x48x1024xf32, #tpu.memory_space<vmem>> -> memref<1x48x1024xf32, #tpu.memory_space<vmem>>
    %dma_start3A_6 = tpu.memref_squeeze %dma_start3A_5 : memref<1x48x1024xf32, #tpu.memory_space<vmem>> -> memref<48x1024xf32, #tpu.memory_space<vmem>>
    %dma_start3A_7 = arith.constant 0 : i32
    %dma_start3A_8 = tpu.memref_slice %arg5[%dma_start3A_7] : memref<144xi32, #tpu.memory_space<vmem>> -> memref<48xi32, #tpu.memory_space<vmem>>
    %dma_start3A_9 = arith.constant 0 : i32
    %dma_start3A_10 = arith.constant 0 : i32
    %dma_start3A_11 = tpu.memref_slice %arg2[%dma_start3A_9, %dma_start3A_10] : memref<8192x1024xf32, #tpu.memory_space<hbm>> -> memref<8192x1024xf32, #tpu.memory_space<hbm>>
    tpu.enqueue_indirect_dma source(%dma_start3A_11 : memref<8192x1024xf32, #tpu.memory_space<hbm>>) target(%dma_start3A_6 : memref<48x1024xf32, #tpu.memory_space<vmem>>) offsets(%dma_start3A_8 : memref<48xi32, #tpu.memory_space<vmem>>) semaphore(%arg7 : memref<!tpu.dma_semaphore, #tpu.memory_space<semaphore_mem>>)
    %dma_start3A_12 = arith.constant 1 : i32
    %dma_start3A_13 = arith.constant 0 : i32
    %dma_start3A_14 = arith.constant 0 : i32
    %dma_start3A_15 = tpu.memref_slice %arg6[%dma_start3A_12, %dma_start3A_13, %dma_start3A_14] : memref<2x48x1024xf32, #tpu.memory_space<vmem>> -> memref<1x48x1024xf32, #tpu.memory_space<vmem>>
    %dma_start3A_16 = tpu.memref_squeeze %dma_start3A_15 : memref<1x48x1024xf32, #tpu.memory_space<vmem>> -> memref<48x1024xf32, #tpu.memory_space<vmem>>
    %dma_start3A_17 = arith.constant 48 : i32
    %dma_start3A_18 = tpu.memref_slice %arg5[%dma_start3A_17] : memref<144xi32, #tpu.memory_space<vmem>> -> memref<48xi32, #tpu.memory_space<vmem>>
    %dma_start3A_19 = arith.constant 0 : i32
    %dma_start3A_20 = arith.constant 0 : i32
    %dma_start3A_21 = tpu.memref_slice %arg2[%dma_start3A_19, %dma_start3A_20] : memref<8192x1024xf32, #tpu.memory_space<hbm>> -> memref<8192x1024xf32, #tpu.memory_space<hbm>>
    tpu.enqueue_indirect_dma source(%dma_start3A_21 : memref<8192x1024xf32, #tpu.memory_space<hbm>>) target(%dma_start3A_16 : memref<48x1024xf32, #tpu.memory_space<vmem>>) offsets(%dma_start3A_18 : memref<48xi32, #tpu.memory_space<vmem>>) semaphore(%arg8 : memref<!tpu.dma_semaphore, #tpu.memory_space<semaphore_mem>>)
    %dma_wait3A = arith.constant 0 : i32
    %dma_wait3A_22 = arith.constant 0 : i32
    %dma_wait3A_23 = arith.constant 0 : i32
    %dma_wait3A_24 = tpu.memref_slice %arg6[%dma_wait3A, %dma_wait3A_22, %dma_wait3A_23] : memref<2x48x1024xf32, #tpu.memory_space<vmem>> -> memref<1x48x1024xf32, #tpu.memory_space<vmem>>
    %dma_wait3A_25 = tpu.memref_squeeze %dma_wait3A_24 : memref<1x48x1024xf32, #tpu.memory_space<vmem>> -> memref<48x1024xf32, #tpu.memory_space<vmem>>
    %dma_wait3A_26 = arith.constant 0 : i32
    %dma_wait3A_27 = tpu.memref_slice %arg5[%dma_wait3A_26] : memref<144xi32, #tpu.memory_space<vmem>> -> memref<48xi32, #tpu.memory_space<vmem>>
    %dma_wait3A_28 = arith.constant 0 : i32
    %dma_wait3A_29 = arith.constant 0 : i32
    %dma_wait3A_30 = tpu.memref_slice %arg2[%dma_wait3A_28, %dma_wait3A_29] : memref<8192x1024xf32, #tpu.memory_space<hbm>> -> memref<8192x1024xf32, #tpu.memory_space<hbm>>
    tpu.wait_indirect_dma semaphore(%arg7 : memref<!tpu.dma_semaphore, #tpu.memory_space<semaphore_mem>>) src(%dma_wait3A_30 : memref<8192x1024xf32, #tpu.memory_space<hbm>>) dst(%dma_wait3A_25 : memref<48x1024xf32, #tpu.memory_space<vmem>>)
    %add3A_31 = arith.constant 0 : i32
    %add3A_32 = arith.addi %mul3A_2, %add3A_31 : i32
    %run_scoped3A = arith.constant 0 : i32
    "tpu.region"() ({
      %run_scoped3A_69 = tpu.sem_alloc : memref<!tpu.dma_semaphore, #tpu.memory_space<semaphore_mem>>
      %dma_start3A_70 = arith.constant 0 : i32
      %dma_start3A_71 = arith.constant 0 : i32
      %dma_start3A_72 = tpu.memref_slice %arg6[%run_scoped3A, %dma_start3A_70, %dma_start3A_71] : memref<2x48x1024xf32, #tpu.memory_space<vmem>> -> memref<1x48x1024xf32, #tpu.memory_space<vmem>>
      %dma_start3A_73 = tpu.memref_squeeze %dma_start3A_72 : memref<1x48x1024xf32, #tpu.memory_space<vmem>> -> memref<48x1024xf32, #tpu.memory_space<vmem>>
      %dma_start3A_74 = arith.constant 0 : i32
      %dma_start3A_75 = tpu.memref_slice %arg4[%add3A_32, %dma_start3A_74] : memref<4608x1024xf32, #tpu.memory_space<hbm>> -> memref<48x1024xf32, #tpu.memory_space<hbm>>
      %dma_start3A_76 = arith.constant 0 : i32
      %dma_start3A_77 = tpu.memref_slice %arg4[%add3A_32, %dma_start3A_76] : memref<4608x1024xf32, #tpu.memory_space<hbm>> -> memref<48x1024xf32, #tpu.memory_space<hbm>>
      %dma_start3A_78 = arith.constant 0 : i32
      %dma_start3A_79 = arith.constant 0 : i32
      %dma_start3A_80 = tpu.memref_slice %arg6[%run_scoped3A, %dma_start3A_78, %dma_start3A_79] : memref<2x48x1024xf32, #tpu.memory_space<vmem>> -> memref<1x48x1024xf32, #tpu.memory_space<vmem>>
      %dma_start3A_81 = tpu.memref_squeeze %dma_start3A_80 : memref<1x48x1024xf32, #tpu.memory_space<vmem>> -> memref<48x1024xf32, #tpu.memory_space<vmem>>
      tpu.enqueue_dma source(%dma_start3A_81 : memref<48x1024xf32, #tpu.memory_space<vmem>>) target(%dma_start3A_77 : memref<48x1024xf32, #tpu.memory_space<hbm>>) target_semaphore(%run_scoped3A_69 : memref<!tpu.dma_semaphore, #tpu.memory_space<semaphore_mem>>)
      %dma_wait3A_82 = arith.constant 0 : i32
      %dma_wait3A_83 = arith.constant 0 : i32
      %dma_wait3A_84 = tpu.memref_slice %arg6[%run_scoped3A, %dma_wait3A_82, %dma_wait3A_83] : memref<2x48x1024xf32, #tpu.memory_space<vmem>> -> memref<1x48x1024xf32, #tpu.memory_space<vmem>>
      %dma_wait3A_85 = tpu.memref_squeeze %dma_wait3A_84 : memref<1x48x1024xf32, #tpu.memory_space<vmem>> -> memref<48x1024xf32, #tpu.memory_space<vmem>>
      %dma_wait3A_86 = arith.constant 0 : i32
      %dma_wait3A_87 = tpu.memref_slice %arg4[%add3A_32, %dma_wait3A_86] : memref<4608x1024xf32, #tpu.memory_space<hbm>> -> memref<48x1024xf32, #tpu.memory_space<hbm>>
      %dma_wait3A_88 = arith.constant 0 : i32
      %dma_wait3A_89 = tpu.memref_slice %arg4[%add3A_32, %dma_wait3A_88] : memref<4608x1024xf32, #tpu.memory_space<hbm>> -> memref<48x1024xf32, #tpu.memory_space<hbm>>
      %dma_wait3A_90 = arith.constant 0 : i32
      %dma_wait3A_91 = arith.constant 0 : i32
      %dma_wait3A_92 = tpu.memref_slice %arg6[%run_scoped3A, %dma_wait3A_90, %dma_wait3A_91] : memref<2x48x1024xf32, #tpu.memory_space<vmem>> -> memref<1x48x1024xf32, #tpu.memory_space<vmem>>
      %dma_wait3A_93 = tpu.memref_squeeze %dma_wait3A_92 : memref<1x48x1024xf32, #tpu.memory_space<vmem>> -> memref<48x1024xf32, #tpu.memory_space<vmem>>
      tpu.wait_dma2 semaphore(%run_scoped3A_69 : memref<!tpu.dma_semaphore, #tpu.memory_space<semaphore_mem>>) src(%dma_wait3A_93 : memref<48x1024xf32, #tpu.memory_space<vmem>>) dst(%dma_wait3A_89 : memref<48x1024xf32, #tpu.memory_space<hbm>>)
      tpu.yield
    }) : () -> ()
    %dma_start3A_33 = arith.constant 0 : i32
    %dma_start3A_34 = arith.constant 0 : i32
    %dma_start3A_35 = arith.constant 0 : i32
    %dma_start3A_36 = tpu.memref_slice %arg6[%dma_start3A_33, %dma_start3A_34, %dma_start3A_35] : memref<2x48x1024xf32, #tpu.memory_space<vmem>> -> memref<1x48x1024xf32, #tpu.memory_space<vmem>>
    %dma_start3A_37 = tpu.memref_squeeze %dma_start3A_36 : memref<1x48x1024xf32, #tpu.memory_space<vmem>> -> memref<48x1024xf32, #tpu.memory_space<vmem>>
    %dma_start3A_38 = arith.constant 96 : i32
    %dma_start3A_39 = tpu.memref_slice %arg5[%dma_start3A_38] : memref<144xi32, #tpu.memory_space<vmem>> -> memref<48xi32, #tpu.memory_space<vmem>>
    %dma_start3A_40 = arith.constant 0 : i32
    %dma_start3A_41 = arith.constant 0 : i32
    %dma_start3A_42 = tpu.memref_slice %arg2[%dma_start3A_40, %dma_start3A_41] : memref<8192x1024xf32, #tpu.memory_space<hbm>> -> memref<8192x1024xf32, #tpu.memory_space<hbm>>
    tpu.enqueue_indirect_dma source(%dma_start3A_42 : memref<8192x1024xf32, #tpu.memory_space<hbm>>) target(%dma_start3A_37 : memref<48x1024xf32, #tpu.memory_space<vmem>>) offsets(%dma_start3A_39 : memref<48xi32, #tpu.memory_space<vmem>>) semaphore(%arg7 : memref<!tpu.dma_semaphore, #tpu.memory_space<semaphore_mem>>)
    %dma_wait3A_43 = arith.constant 1 : i32
    %dma_wait3A_44 = arith.constant 0 : i32
    %dma_wait3A_45 = arith.constant 0 : i32
    %dma_wait3A_46 = tpu.memref_slice %arg6[%dma_wait3A_43, %dma_wait3A_44, %dma_wait3A_45] : memref<2x48x1024xf32, #tpu.memory_space<vmem>> -> memref<1x48x1024xf32, #tpu.memory_space<vmem>>
    %dma_wait3A_47 = tpu.memref_squeeze %dma_wait3A_46 : memref<1x48x1024xf32, #tpu.memory_space<vmem>> -> memref<48x1024xf32, #tpu.memory_space<vmem>>
    %dma_wait3A_48 = arith.constant 48 : i32
    %dma_wait3A_49 = tpu.memref_slice %arg5[%dma_wait3A_48] : memref<144xi32, #tpu.memory_space<vmem>> -> memref<48xi32, #tpu.memory_space<vmem>>
    %dma_wait3A_50 = arith.constant 0 : i32
    %dma_wait3A_51 = arith.constant 0 : i32
    %dma_wait3A_52 = tpu.memref_slice %arg2[%dma_wait3A_50, %dma_wait3A_51] : memref<8192x1024xf32, #tpu.memory_space<hbm>> -> memref<8192x1024xf32, #tpu.memory_space<hbm>>
    tpu.wait_indirect_dma semaphore(%arg8 : memref<!tpu.dma_semaphore, #tpu.memory_space<semaphore_mem>>) src(%dma_wait3A_52 : memref<8192x1024xf32, #tpu.memory_space<hbm>>) dst(%dma_wait3A_47 : memref<48x1024xf32, #tpu.memory_space<vmem>>)
    %add3A_53 = arith.constant 48 : i32
    %add3A_54 = arith.addi %mul3A_2, %add3A_53 : i32
    %run_scoped3A_55 = arith.constant 1 : i32
    "tpu.region"() ({
      %run_scoped3A_69 = tpu.sem_alloc : memref<!tpu.dma_semaphore, #tpu.memory_space<semaphore_mem>>
      %dma_start3A_70 = arith.constant 0 : i32
      %dma_start3A_71 = arith.constant 0 : i32
      %dma_start3A_72 = tpu.memref_slice %arg6[%run_scoped3A_55, %dma_start3A_70, %dma_start3A_71] : memref<2x48x1024xf32, #tpu.memory_space<vmem>> -> memref<1x48x1024xf32, #tpu.memory_space<vmem>>
      %dma_start3A_73 = tpu.memref_squeeze %dma_start3A_72 : memref<1x48x1024xf32, #tpu.memory_space<vmem>> -> memref<48x1024xf32, #tpu.memory_space<vmem>>
      %dma_start3A_74 = arith.constant 0 : i32
      %dma_start3A_75 = tpu.memref_slice %arg4[%add3A_54, %dma_start3A_74] : memref<4608x1024xf32, #tpu.memory_space<hbm>> -> memref<48x1024xf32, #tpu.memory_space<hbm>>
      %dma_start3A_76 = arith.constant 0 : i32
      %dma_start3A_77 = tpu.memref_slice %arg4[%add3A_54, %dma_start3A_76] : memref<4608x1024xf32, #tpu.memory_space<hbm>> -> memref<48x1024xf32, #tpu.memory_space<hbm>>
      %dma_start3A_78 = arith.constant 0 : i32
      %dma_start3A_79 = arith.constant 0 : i32
      %dma_start3A_80 = tpu.memref_slice %arg6[%run_scoped3A_55, %dma_start3A_78, %dma_start3A_79] : memref<2x48x1024xf32, #tpu.memory_space<vmem>> -> memref<1x48x1024xf32, #tpu.memory_space<vmem>>
      %dma_start3A_81 = tpu.memref_squeeze %dma_start3A_80 : memref<1x48x1024xf32, #tpu.memory_space<vmem>> -> memref<48x1024xf32, #tpu.memory_space<vmem>>
      tpu.enqueue_dma source(%dma_start3A_81 : memref<48x1024xf32, #tpu.memory_space<vmem>>) target(%dma_start3A_77 : memref<48x1024xf32, #tpu.memory_space<hbm>>) target_semaphore(%run_scoped3A_69 : memref<!tpu.dma_semaphore, #tpu.memory_space<semaphore_mem>>)
      %dma_wait3A_82 = arith.constant 0 : i32
      %dma_wait3A_83 = arith.constant 0 : i32
      %dma_wait3A_84 = tpu.memref_slice %arg6[%run_scoped3A_55, %dma_wait3A_82, %dma_wait3A_83] : memref<2x48x1024xf32, #tpu.memory_space<vmem>> -> memref<1x48x1024xf32, #tpu.memory_space<vmem>>
      %dma_wait3A_85 = tpu.memref_squeeze %dma_wait3A_84 : memref<1x48x1024xf32, #tpu.memory_space<vmem>> -> memref<48x1024xf32, #tpu.memory_space<vmem>>
      %dma_wait3A_86 = arith.constant 0 : i32
      %dma_wait3A_87 = tpu.memref_slice %arg4[%add3A_54, %dma_wait3A_86] : memref<4608x1024xf32, #tpu.memory_space<hbm>> -> memref<48x1024xf32, #tpu.memory_space<hbm>>
      %dma_wait3A_88 = arith.constant 0 : i32
      %dma_wait3A_89 = tpu.memref_slice %arg4[%add3A_54, %dma_wait3A_88] : memref<4608x1024xf32, #tpu.memory_space<hbm>> -> memref<48x1024xf32, #tpu.memory_space<hbm>>
      %dma_wait3A_90 = arith.constant 0 : i32
      %dma_wait3A_91 = arith.constant 0 : i32
      %dma_wait3A_92 = tpu.memref_slice %arg6[%run_scoped3A_55, %dma_wait3A_90, %dma_wait3A_91] : memref<2x48x1024xf32, #tpu.memory_space<vmem>> -> memref<1x48x1024xf32, #tpu.memory_space<vmem>>
      %dma_wait3A_93 = tpu.memref_squeeze %dma_wait3A_92 : memref<1x48x1024xf32, #tpu.memory_space<vmem>> -> memref<48x1024xf32, #tpu.memory_space<vmem>>
      tpu.wait_dma2 semaphore(%run_scoped3A_69 : memref<!tpu.dma_semaphore, #tpu.memory_space<semaphore_mem>>) src(%dma_wait3A_93 : memref<48x1024xf32, #tpu.memory_space<vmem>>) dst(%dma_wait3A_89 : memref<48x1024xf32, #tpu.memory_space<hbm>>)
      tpu.yield
    }) : () -> ()
    %dma_wait3A_56 = arith.constant 0 : i32
    %dma_wait3A_57 = arith.constant 0 : i32
    %dma_wait3A_58 = arith.constant 0 : i32
    %dma_wait3A_59 = tpu.memref_slice %arg6[%dma_wait3A_56, %dma_wait3A_57, %dma_wait3A_58] : memref<2x48x1024xf32, #tpu.memory_space<vmem>> -> memref<1x48x1024xf32, #tpu.memory_space<vmem>>
    %dma_wait3A_60 = tpu.memref_squeeze %dma_wait3A_59 : memref<1x48x1024xf32, #tpu.memory_space<vmem>> -> memref<48x1024xf32, #tpu.memory_space<vmem>>
    %dma_wait3A_61 = arith.constant 96 : i32
    %dma_wait3A_62 = tpu.memref_slice %arg5[%dma_wait3A_61] : memref<144xi32, #tpu.memory_space<vmem>> -> memref<48xi32, #tpu.memory_space<vmem>>
    %dma_wait3A_63 = arith.constant 0 : i32
    %dma_wait3A_64 = arith.constant 0 : i32
    %dma_wait3A_65 = tpu.memref_slice %arg2[%dma_wait3A_63, %dma_wait3A_64] : memref<8192x1024xf32, #tpu.memory_space<hbm>> -> memref<8192x1024xf32, #tpu.memory_space<hbm>>
    tpu.wait_indirect_dma semaphore(%arg7 : memref<!tpu.dma_semaphore, #tpu.memory_space<semaphore_mem>>) src(%dma_wait3A_65 : memref<8192x1024xf32, #tpu.memory_space<hbm>>) dst(%dma_wait3A_60 : memref<48x1024xf32, #tpu.memory_space<vmem>>)
    %add3A_66 = arith.constant 96 : i32
    %add3A_67 = arith.addi %mul3A_2, %add3A_66 : i32
    %run_scoped3A_68 = arith.constant 0 : i32
    "tpu.region"() ({
      %run_scoped3A_69 = tpu.sem_alloc : memref<!tpu.dma_semaphore, #tpu.memory_space<semaphore_mem>>
      %dma_start3A_70 = arith.constant 0 : i32
      %dma_start3A_71 = arith.constant 0 : i32
      %dma_start3A_72 = tpu.memref_slice %arg6[%run_scoped3A_68, %dma_start3A_70, %dma_start3A_71] : memref<2x48x1024xf32, #tpu.memory_space<vmem>> -> memref<1x48x1024xf32, #tpu.memory_space<vmem>>
      %dma_start3A_73 = tpu.memref_squeeze %dma_start3A_72 : memref<1x48x1024xf32, #tpu.memory_space<vmem>> -> memref<48x1024xf32, #tpu.memory_space<vmem>>
      %dma_start3A_74 = arith.constant 0 : i32
      %dma_start3A_75 = tpu.memref_slice %arg4[%add3A_67, %dma_start3A_74] : memref<4608x1024xf32, #tpu.memory_space<hbm>> -> memref<48x1024xf32, #tpu.memory_space<hbm>>
      %dma_start3A_76 = arith.constant 0 : i32
      %dma_start3A_77 = tpu.memref_slice %arg4[%add3A_67, %dma_start3A_76] : memref<4608x1024xf32, #tpu.memory_space<hbm>> -> memref<48x1024xf32, #tpu.memory_space<hbm>>
      %dma_start3A_78 = arith.constant 0 : i32
      %dma_start3A_79 = arith.constant 0 : i32
      %dma_start3A_80 = tpu.memref_slice %arg6[%run_scoped3A_68, %dma_start3A_78, %dma_start3A_79] : memref<2x48x1024xf32, #tpu.memory_space<vmem>> -> memref<1x48x1024xf32, #tpu.memory_space<vmem>>
      %dma_start3A_81 = tpu.memref_squeeze %dma_start3A_80 : memref<1x48x1024xf32, #tpu.memory_space<vmem>> -> memref<48x1024xf32, #tpu.memory_space<vmem>>
      tpu.enqueue_dma source(%dma_start3A_81 : memref<48x1024xf32, #tpu.memory_space<vmem>>) target(%dma_start3A_77 : memref<48x1024xf32, #tpu.memory_space<hbm>>) target_semaphore(%run_scoped3A_69 : memref<!tpu.dma_semaphore, #tpu.memory_space<semaphore_mem>>)
      %dma_wait3A_82 = arith.constant 0 : i32
      %dma_wait3A_83 = arith.constant 0 : i32
      %dma_wait3A_84 = tpu.memref_slice %arg6[%run_scoped3A_68, %dma_wait3A_82, %dma_wait3A_83] : memref<2x48x1024xf32, #tpu.memory_space<vmem>> -> memref<1x48x1024xf32, #tpu.memory_space<vmem>>
      %dma_wait3A_85 = tpu.memref_squeeze %dma_wait3A_84 : memref<1x48x1024xf32, #tpu.memory_space<vmem>> -> memref<48x1024xf32, #tpu.memory_space<vmem>>
      %dma_wait3A_86 = arith.constant 0 : i32
      %dma_wait3A_87 = tpu.memref_slice %arg4[%add3A_67, %dma_wait3A_86] : memref<4608x1024xf32, #tpu.memory_space<hbm>> -> memref<48x1024xf32, #tpu.memory_space<hbm>>
      %dma_wait3A_88 = arith.constant 0 : i32
      %dma_wait3A_89 = tpu.memref_slice %arg4[%add3A_67, %dma_wait3A_88] : memref<4608x1024xf32, #tpu.memory_space<hbm>> -> memref<48x1024xf32, #tpu.memory_space<hbm>>
      %dma_wait3A_90 = arith.constant 0 : i32
      %dma_wait3A_91 = arith.constant 0 : i32
      %dma_wait3A_92 = tpu.memref_slice %arg6[%run_scoped3A_68, %dma_wait3A_90, %dma_wait3A_91] : memref<2x48x1024xf32, #tpu.memory_space<vmem>> -> memref<1x48x1024xf32, #tpu.memory_space<vmem>>
      %dma_wait3A_93 = tpu.memref_squeeze %dma_wait3A_92 : memref<1x48x1024xf32, #tpu.memory_space<vmem>> -> memref<48x1024xf32, #tpu.memory_space<vmem>>
      tpu.wait_dma2 semaphore(%run_scoped3A_69 : memref<!tpu.dma_semaphore, #tpu.memory_space<semaphore_mem>>) src(%dma_wait3A_93 : memref<48x1024xf32, #tpu.memory_space<vmem>>) dst(%dma_wait3A_89 : memref<48x1024xf32, #tpu.memory_space<hbm>>)
      tpu.yield
    }) : () -> ()
    return
  }
}

module attributes {stable_mosaic.version = 14 : i64} {
  func.func @_vq_dist_kernel(%arg0: i32, %arg1: i32, %arg2: memref<512x1024xf32, #tpu.memory_space<vmem>>, %arg3: memref<4096x1024xf32, #tpu.memory_space<vmem>>, %arg4: memref<512xf32, #tpu.memory_space<vmem>>, %arg5: memref<4096xf32, #tpu.memory_space<vmem>>, %arg6: memref<512x4096xf32, #tpu.memory_space<vmem>>, %arg7: memref<1x1x512xi32, #tpu.memory_space<vmem>>, %arg8: memref<4608xf32, #tpu.memory_space<vmem>>, %arg9: memref<4608xi32, #tpu.memory_space<vmem>>) attributes {dimension_semantics = [#tpu.dimension_semantics<arbitrary>, #tpu.dimension_semantics<parallel>], iteration_bounds = array<i64: 2, 9>, scalar_prefetch = 0 : i64, scratch_operands = 2 : i64, tpu.core_type = #tpu.core_type<tc>, window_params = [{transform_indices = @transform_0, window_bounds = array<i64: 512, 1024>}, {transform_indices = @transform_1, window_bounds = array<i64: 4096, 1024>}, {transform_indices = @transform_2, window_bounds = array<i64: 512>}, {transform_indices = @transform_3, window_bounds = array<i64: 4096>}, {transform_indices = @transform_4, window_bounds = array<i64: 512, 4096>}, {transform_indices = @transform_5, window_bounds = array<i64: 1, 1, 512>}]} {
    %get3A = arith.constant 0 : index
    %get3A_0 = arith.constant 0 : index
    %get3A_1 = vector.load %arg2[%get3A, %get3A_0] : memref<512x1024xf32, #tpu.memory_space<vmem>>, vector<512x1024xf32>
    %get3A_2 = arith.constant 0 : index
    %get3A_3 = arith.constant 0 : index
    %get3A_4 = vector.load %arg3[%get3A_2, %get3A_3] : memref<4096x1024xf32, #tpu.memory_space<vmem>>, vector<4096x1024xf32>
    %mul3A = arith.constant 512 : i32
    %mul3A_5 = arith.muli %arg1, %mul3A : i32
    %get3A_6 = arith.constant 0 : index
    %get3A_7 = vector.load %arg4[%get3A_6] : memref<512xf32, #tpu.memory_space<vmem>>, vector<512xf32>
    %broadcast_in_dim3A = vector.shape_cast %get3A_7 : vector<512xf32> to vector<512x1xf32>
    %get3A_8 = arith.constant 0 : index
    %get3A_9 = vector.load %arg5[%get3A_8] : memref<4096xf32, #tpu.memory_space<vmem>>, vector<4096xf32>
    %dot_general3A = arith.constant dense<0.000000e+00> : vector<512x4096xf32>
    %dot_general3A_10 = tpu.matmul %get3A_1, %get3A_4, %dot_general3A {dimension_numbers = #tpu.dot_dimension_numbers<[1], [1], [0], [0], [0, 0, 1, 0], [], []>, transpose_lhs_hint = false} : vector<512x1024xf32>, vector<4096x1024xf32>, vector<512x4096xf32> -> vector<512x4096xf32>
    %mul3A_11 = arith.constant 2.000000e+00 : f32
    %mul3A_12 = vector.broadcast %mul3A_11 : f32 to vector<512x4096xf32>
    %mul3A_13 = arith.mulf %mul3A_12, %dot_general3A_10 : vector<512x4096xf32>
    %broadcast_in_dim3A_14 = vector.shape_cast %get3A_9 : vector<4096xf32> to vector<1x4096xf32>
    %add3A = vector.broadcast %broadcast_in_dim3A : vector<512x1xf32> to vector<512x4096xf32>
    %add3A_15 = vector.broadcast %broadcast_in_dim3A_14 : vector<1x4096xf32> to vector<512x4096xf32>
    %add3A_16 = arith.addf %add3A, %add3A_15 : vector<512x4096xf32>
    %sub3A = arith.subf %mul3A_13, %add3A_16 : vector<512x4096xf32>
    %swap3A = arith.constant 0 : index
    %swap3A_17 = arith.constant 0 : index
    %swap3A_18 = vector.load %arg6[%swap3A, %swap3A_17] : memref<512x4096xf32, #tpu.memory_space<vmem>>, vector<512x4096xf32>
    tpu.vector_store %arg6[%swap3A, %swap3A_17], %sub3A {strides = array<i32>} : memref<512x4096xf32, #tpu.memory_space<vmem>>, vector<512x4096xf32>,
    %reduce_max3A = arith.constant dense<0xFF800000> : vector<512xf32>
    %reduce_max3A_19 = vector.multi_reduction <maximumf>, %sub3A, %reduce_max3A [1] : vector<512x4096xf32> to vector<512xf32>
    %iota3A = tpu.iota {dimensions = array<i32: 1>} : vector<512x4096xi32>
    %broadcast_in_dim3A_20 = vector.shape_cast %reduce_max3A_19 : vector<512xf32> to vector<512x1xf32>
    %eq3A = vector.broadcast %broadcast_in_dim3A_20 : vector<512x1xf32> to vector<512x4096xf32>
    %eq3A_21 = arith.cmpf oeq, %sub3A, %eq3A : vector<512x4096xf32>
    %jit3A = arith.constant 1073741824 : i32
    %broadcast_in_dim3A_22 = vector.broadcast %jit3A : i32 to vector<512x4096xi32>
    %select_n3A = arith.select %eq3A_21, %iota3A, %broadcast_in_dim3A_22 : vector<512x4096xi1>, vector<512x4096xi32>
    %reduce_min3A = arith.constant dense<2147483647> : vector<512xi32>
    %reduce_min3A_23 = vector.multi_reduction <minsi>, %select_n3A, %reduce_min3A [1] : vector<512x4096xi32> to vector<512xi32>
    %mul3A_24 = arith.constant 4096 : i32
    %mul3A_25 = arith.muli %arg0, %mul3A_24 : i32
    %add3A_26 = vector.broadcast %mul3A_25 : i32 to vector<512xi32>
    %add3A_27 = arith.addi %reduce_min3A_23, %add3A_26 : vector<512xi32>
    %eq3A_28 = arith.constant 0 : i32
    %eq3A_29 = arith.cmpi eq, %arg0, %eq3A_28 : i32
    %convert_element_type3A = arith.extui %eq3A_29 : i1 to i32
    %cond3A = arith.constant 0 : i32
    %cond3A_30 = arith.cmpi ne, %convert_element_type3A, %cond3A : i32
    scf.if %cond3A_30 {
      %swap3A_40 = arith.index_cast %mul3A_5 : i32 to index
      %swap3A_41 = vector.load %arg8[%swap3A_40] : memref<4608xf32, #tpu.memory_space<vmem>>, vector<512xf32>
      tpu.vector_store %arg8[%swap3A_40], %reduce_max3A_19 {strides = array<i32>} : memref<4608xf32, #tpu.memory_space<vmem>>, vector<512xf32>,
      %swap3A_42 = arith.index_cast %mul3A_5 : i32 to index
      %swap3A_43 = vector.load %arg9[%swap3A_42] : memref<4608xi32, #tpu.memory_space<vmem>>, vector<512xi32>
      tpu.vector_store %arg9[%swap3A_42], %add3A_27 {strides = array<i32>} : memref<4608xi32, #tpu.memory_space<vmem>>, vector<512xi32>,
    } else {
    }
    %gt3A = arith.constant 0 : i32
    %gt3A_31 = arith.cmpi sgt, %arg0, %gt3A : i32
    %convert_element_type3A_32 = arith.extui %gt3A_31 : i1 to i32
    %cond3A_33 = arith.constant 0 : i32
    %cond3A_34 = arith.cmpi ne, %convert_element_type3A_32, %cond3A_33 : i32
    scf.if %cond3A_34 {
      %get3A_40 = arith.index_cast %mul3A_5 : i32 to index
      %get3A_41 = vector.load %arg8[%get3A_40] : memref<4608xf32, #tpu.memory_space<vmem>>, vector<512xf32>
      %get3A_42 = arith.index_cast %mul3A_5 : i32 to index
      %get3A_43 = vector.load %arg9[%get3A_42] : memref<4608xi32, #tpu.memory_space<vmem>>, vector<512xi32>
      %gt3A_44 = arith.cmpf ogt, %reduce_max3A_19, %get3A_41 : vector<512xf32>
      %select_n3A_45 = arith.select %gt3A_44, %reduce_max3A_19, %get3A_41 : vector<512xi1>, vector<512xf32>
      %swap3A_46 = arith.index_cast %mul3A_5 : i32 to index
      %swap3A_47 = vector.load %arg8[%swap3A_46] : memref<4608xf32, #tpu.memory_space<vmem>>, vector<512xf32>
      tpu.vector_store %arg8[%swap3A_46], %select_n3A_45 {strides = array<i32>} : memref<4608xf32, #tpu.memory_space<vmem>>, vector<512xf32>,
      %select_n3A_48 = arith.select %gt3A_44, %add3A_27, %get3A_43 : vector<512xi1>, vector<512xi32>
      %swap3A_49 = arith.index_cast %mul3A_5 : i32 to index
      %swap3A_50 = vector.load %arg9[%swap3A_49] : memref<4608xi32, #tpu.memory_space<vmem>>, vector<512xi32>
      tpu.vector_store %arg9[%swap3A_49], %select_n3A_48 {strides = array<i32>} : memref<4608xi32, #tpu.memory_space<vmem>>, vector<512xi32>,
    } else {
    }
    %eq3A_35 = arith.constant 1 : i32
    %eq3A_36 = arith.cmpi eq, %arg0, %eq3A_35 : i32
    %convert_element_type3A_37 = arith.extui %eq3A_36 : i1 to i32
    %cond3A_38 = arith.constant 0 : i32
    %cond3A_39 = arith.cmpi ne, %convert_element_type3A_37, %cond3A_38 : i32
    scf.if %cond3A_39 {
      %get3A_40 = arith.index_cast %mul3A_5 : i32 to index
      %get3A_41 = vector.load %arg9[%get3A_40] : memref<4608xi32, #tpu.memory_space<vmem>>, vector<512xi32>
      %reshape3A = vector.shape_cast %get3A_41 : vector<512xi32> to vector<1x1x512xi32>
      %swap3A_42 = arith.constant 0 : index
      %swap3A_43 = arith.constant 0 : index
      %swap3A_44 = arith.constant 0 : index
      %swap3A_45 = vector.load %arg7[%swap3A_42, %swap3A_43, %swap3A_44] : memref<1x1x512xi32, #tpu.memory_space<vmem>>, vector<1x1x512xi32>
      tpu.vector_store %arg7[%swap3A_42, %swap3A_43, %swap3A_44], %reshape3A {strides = array<i32>} : memref<1x1x512xi32, #tpu.memory_space<vmem>>, vector<1x1x512xi32>,
    } else {
    }
    return
  }
  func.func @transform_0(%arg0: i32, %arg1: i32) -> (i32, i32) {
    %c0_i32 = arith.constant 0 : i32
    %c0_i32_0 = arith.constant 0 : i32
    return %arg1, %c0_i32 : i32, i32
  }
  func.func @transform_1(%arg0: i32, %arg1: i32) -> (i32, i32) {
    %c0_i32 = arith.constant 0 : i32
    %c0_i32_0 = arith.constant 0 : i32
    return %arg0, %c0_i32 : i32, i32
  }
  func.func @transform_2(%arg0: i32, %arg1: i32) -> i32 {
    %c0_i32 = arith.constant 0 : i32
    return %arg1 : i32
  }
  func.func @transform_3(%arg0: i32, %arg1: i32) -> i32 {
    %c0_i32 = arith.constant 0 : i32
    return %arg0 : i32
  }
  func.func @transform_4(%arg0: i32, %arg1: i32) -> (i32, i32) {
    %c0_i32 = arith.constant 0 : i32
    return %arg1, %arg0 : i32, i32
  }
  func.func @transform_5(%arg0: i32, %arg1: i32) -> (i32, i32, i32) {
    %c0_i32 = arith.constant 0 : i32
    %c0_i32_0 = arith.constant 0 : i32
    %c0_i32_1 = arith.constant 0 : i32
    return %arg1, %c0_i32, %c0_i32_0 : i32, i32, i32
  }
}

</mosaic_0001>

<sc_bundles>
// kernel: kernel.4.cloned.1.call-start
scs
__scs_entry_jumppad:
0x0: {  	(pc) =	sbr.rel $0x88, $3  }
0x1: {  	(tag) =	ssettag $0x0;
	lr =	simm.s32 $0x1  }
0x2: {  	[smem:$0x3F9F] =	sst lr;
	_ =	strace $0xD0000000  }
0x3: {  	_ = 	snop  }
0x4: {  	_ = 	snop  }
0x5: {  	_ = 	snop  }
0x6: {  	_ = 	snop  }
0x7: {  	_ = 	snop  }
__scs_overlays_trampoline_lowered:
0x8: {  	[smem:$0x3FAE] =	sst s0  }
0x9: {  	[smem:$0x3FAF] =	sst s1  }
0xa: {  	[smem:$0x3FB0] =	sst s2  }
0xb: {  	[smem:$0x3FB1] =	sst s3  }
0xc: {  	[smem:$0x3FB2] =	sst s4  }
0xd: {  	[smem:$0x3FB3] =	sst s5  }
0xe: {  	[smem:$0x3FB4] =	sst s6  }
0xf: {  	[smem:$0x3FB5] =	sst s7  }
0x10: {  	[smem:$0x3FB6] =	sst s8  }
0x11: {  	[smem:$0x3FB7] =	sst s9;
	s0 =	simm.s32 @!p0 $0x0  }
0x12: {  	s1 =	sld [smem:$0x3F9D];
	s0 =	simm.s32 @p0 $0x1  }
0x13: {  	[smem:$0x3FB8] =	sst s0;
	s0 =	simm.s32 @!p1 $0x0  }
0x14: {  	s2 =	sld [smem:$0x3F9C];
	s0 =	simm.s32 @p1 $0x1  }
0x15: {  	[smem:$0x3FB9] =	sst s0;
	s0 =	simm.s32 @!p2 $0x0  }
0x16: {  	s3 =	sld [smem:$0x3FDB];
	s0 =	simm.s32 @p2 $0x1  }
0x17: {  	s4 =	simm.s32 $0x1BF5;
	[smem:$0x3FBB] =	sst s0  }
0x18: {  	s0 =	sld [smem:$0x3F9E];
	_ =	swait.ge [sflag:s4], $0x0  }
0x19: {  	s7 =	sld [smem:$0x3F9F]  }
0x1a: {  	s8 =	sadd.s32 $0xFFFFE003, lr  }
0x1b: {  	s9 =	sadd.s32 $0xFFFFFEF7, lr;
	s5 =	simm.s32 $0xFFFFFFFF;
	p2 =	slt.u32 s8, $0xFFFFF086  }
0x1c: {  	p1 =	slt.u32 s9, $0xF7A;
	s5 =	simm.s32 @!p2 $0x0  }
0x1d: {  	s5 =	simm.s32 @p1 $0x1;
	p0 =	seq.s32 s7, s2  }
0x1e: {  	s7 =	smul.u32 @!p0 $0xF7A, s2;
	p2 =	seq.s32 @!p0 s5, $0x0  }
0x1f: {  	s9 =	smul.u32 $0xF7A, s1;
	s8 =	simm.s32 @!p0 $0x1BF5;
	p2 =	por !p2, p0  }
0x20: {  	[sflag:s8] =	ssyncset.s32 @!p0 $0xFFFFF086;
	s6 =	sadd.s32 @!p0 s3, s7;
	s7 =	simm.s32 @!p0 $0x108  }
0x21: {  	s3 =	sadd.s32 s3, s9;
	s6 =	sadd.s32 @!p0 $0x88, s6;
	s7 =	simm.s32 @p2 $0x1082  }
0x22: {  	[simem:s7], [sflag:s8] =	dma.local @!p0 [hbm:s6], $0xF7A  }
0x23: {  	s9 =	sor.u32 $0xD0000000, s2;
	s6 =	simm.s32 $0x108;
	_ =	swait.ge @!p0 [sflag:s8], $0x0  }
0x24: {  	s3 =	sadd.s32 $0x88, s3;
	s6 =	simm.s32 @!p1 $0x1082;
	[sflag:s4] =	ssyncset.s32 $0xFFFFF086  }
0x25: {  	[simem:s6], [sflag:s4] =	dma.local [hbm:s3], $0xF7A  }
0x26: {  	[smem:$0x3F9F] =	sst s1;
	(tag) =	ssettag s2;
	_ =	strace s9  }
0x27: {  	s1 =	sld [smem:$0x3FAF]  }
0x28: {  	s2 =	sld [smem:$0x3FB0]  }
0x29: {  	s4 =	sld [smem:$0x3FB2]  }
0x2a: {  	p0 =	seq.s32 s5, $0x0;
	s5 =	sld [smem:$0x3FB3]  }
0x2b: {  	s6 =	sld [smem:$0x3FB4]  }
0x2c: {  	s7 =	sld [smem:$0x3FB5]  }
0x2d: {  	s3 =	simm.s32 $0x108;
	s8 =	sld [smem:$0x3FB6]  }
0x2e: {  	s3 =	simm.s32 @!p0 $0x1082;
	s9 =	sld [smem:$0x3FB7]  }
0x2f: {  	lr =	sadd.s32 s0, s3;
	s0 =	sld [smem:$0x3FAE]  }
0x30: {  	s3 =	sld [smem:$0x3FB1]  }
0x31: {  	[smem:$0x3FBA] =	sst s10  }
0x32: {  	s10 =	sld [smem:$0x3FB8];
	_ =	sdelay $0x3  }
0x33: {  	p0 =	seq.s32 s10, $0x1;
	s10 =	sld [smem:$0x3FBA];
	_ =	sdelay $0x3  }
0x34: {  	[smem:$0x3FBA] =	sst s10  }
0x35: {  	s10 =	sld [smem:$0x3FB9];
	_ =	sdelay $0x3  }
0x36: {  	p1 =	seq.s32 s10, $0x1;
	s10 =	sld [smem:$0x3FBA];
	_ =	sdelay $0x3  }
0x37: {  	[smem:$0x3FBA] =	sst s10  }
0x38: {  	s10 =	sld [smem:$0x3FBB]  }
0x39: {  	_ = 	snop;
	(pc) =	sbr.ind lr, $3  }
0x3a: {  	_ = 	snop  }
0x3b: {  	_ = 	snop  }
0x3c: {  	p2 =	seq.s32 s10, $0x1;
	s10 =	sld [smem:$0x3FBA]  }
0x3d: {  	_ =	shalt  }
0x3e: {  	_ =	shalt  }
0x3f: {  	_ =	shalt  }
0x40: {  	_ =	shalt  }
0x41: {  	_ =	shalt  }
0x42: {  	_ =	shalt  }
0x43: {  	_ =	shalt  }
0x44: {  	_ =	shalt  }
0x45: {  	_ =	shalt  }
0x46: {  	_ =	shalt  }
0x47: {  	_ =	shalt  }
0x48: {  	_ =	shalt  }
0x49: {  	_ =	shalt  }
0x4a: {  	_ =	shalt  }
0x4b: {  	_ =	shalt  }
0x4c: {  	_ =	shalt  }
0x4d: {  	_ =	shalt  }
0x4e: {  	_ =	shalt  }
0x4f: {  	_ =	shalt  }
0x50: {  	_ =	shalt  }
0x51: {  	_ =	shalt  }
0x52: {  	_ =	shalt  }
0x53: {  	_ =	shalt  }
0x54: {  	_ =	shalt  }
0x55: {  	_ =	shalt  }
0x56: {  	_ =	shalt  }
0x57: {  	_ =	shalt  }
0x58: {  	_ =	shalt  }
0x59: {  	_ =	shalt  }
0x5a: {  	_ =	shalt  }
0x5b: {  	_ =	shalt  }
0x5c: {  	_ =	shalt  }
0x5d: {  	_ =	shalt  }
0x5e: {  	_ =	shalt  }
0x5f: {  	_ =	shalt  }
0x60: {  	_ =	shalt  }
0x61: {  	_ =	shalt  }
0x62: {  	_ =	shalt  }
0x63: {  	_ =	shalt  }
0x64: {  	_ =	shalt  }
0x65: {  	_ =	shalt  }
0x66: {  	_ =	shalt  }
0x67: {  	_ =	shalt  }
0x68: {  	_ =	shalt  }
0x69: {  	_ =	shalt  }
0x6a: {  	_ =	shalt  }
0x6b: {  	_ =	shalt  }
0x6c: {  	_ =	shalt  }
0x6d: {  	_ =	shalt  }
0x6e: {  	_ =	shalt  }
0x6f: {  	_ =	shalt  }
0x70: {  	_ =	shalt  }
0x71: {  	_ =	shalt  }
0x72: {  	_ =	shalt  }
0x73: {  	_ =	shalt  }
0x74: {  	_ =	shalt  }
0x75: {  	_ =	shalt  }
0x76: {  	_ =	shalt  }
0x77: {  	_ =	shalt  }
0x78: {  	_ =	shalt  }
0x79: {  	_ =	shalt  }
0x7a: {  	_ =	shalt  }
0x7b: {  	_ =	shalt  }
0x7c: {  	_ =	shalt  }
0x7d: {  	_ =	shalt  }
0x7e: {  	_ =	shalt  }
0x7f: {  	_ =	shalt  }
0x80: {  	_ =	shalt  }
0x81: {  	_ =	shalt  }
0x82: {  	_ =	shalt  }
0x83: {  	_ =	shalt  }
0x84: {  	_ =	shalt  }
0x85: {  	_ =	shalt  }
0x86: {  	_ =	shalt  }
0x87: {  	_ =	shalt  }
.Lfunc_end0:
.L_simem_size_0:
called_computation_lowered:
.L_overlay_start_0:
0x88: {  	s2 =	sld [smem:$0x3FD9]  }
0x89: {  	s3 =	sld [smem:$0x3FFE];
	_ =	sdelay $0x1  }
0x8a: {  	s1 =	srdreg.scid  }
0x8b: {  	s0 =	sand.u32 $0x1, s1  }
0x8c: {  	s14 =	sshll.u32 s0, $0xA;
	s2 =	sadd.s32 s3, s2  }
0x8d: {  	s2 =	sadd.s32 s2, s14  }
0x8e: {  	[smem:$0x3FC6] =	sst s2  }
0x8f: {  	_ = 	snop  }
0x90: {  	s2 =	sld [smem:$0x3FD0];
	_ =	sdelay $0x2  }
0x91: {  	s4 =	simm.s32 $0xA;
	s5 =	simm.s32 $0x10;
	s15 =	sld [smem:$0x3FC8]  }
0x92: {  	[smem:s5], [sflag:s4] =	dma.local [hbm:s2], $0x1  }
0x93: {  	_ =	swait.eq [sflag:s4], $0x1  }
0x94: {  	[sflag:s4] =	ssyncset.done $0x0  }
0x95: {  	[sflag:s4] =	ssyncadd.s32 $0xFFFFFFFF  }
0x96: {  	s16 =	sld [smem:$0x10];
	(tm) =	ssettm $0x1  }
0x97: {  	s17 =	sld [smem:$0x3FFB];
	_ =	sdelay $0x3  }
0x98: {  	_ =	strace s17  }
0x99: {  	s4 =	sld [smem:$0x3FFC];
	_ =	sdelay $0x3  }
0x9a: {  	_ =	strace s4  }
0x9b: {  	s4 =	sld [smem:$0x3FFD];
	_ =	sdelay $0x3  }
0x9c: {  	_ =	strace s4  }
0x9d: {  	_ =	strace $0x8FFFFFFF  }
0x9e: {  	s18 =	sld [smem:$0x3FDB];
	_ =	sdelay $0x1  }
0x9f: {  	s19 =	simm.s32 $_scs_section_size  }
0xa0: {  	s6 =	simm.s32 $_size__tile_overlayer_lowered;
	s7 =	simm.s32 $_tile_overlayer_lowered  }
0xa1: {  	s22 =	simm.s32 $0x1BFF;
	s21 =	sshll.u32 s7, $0x1;
	s4 =	sadd.s32 s19, s18  }
0xa2: {  	s8 =	simm.s32 $0x0;
	s20 =	sshll.u32 s6, $0x1;
	s6 =	sadd.s32 s21, s4  }
0xa3: {  	[timem:s8], [sflag:s22] =	dma.local [hbm:s6], s20  }
0xa4: {  	_ =	swait.ge [sflag:s22], s20  }
0xa5: {  	s5 =	ssub.s32 $0x0, s20;
	[sflag:s22] =	ssyncset.done $0x0  }
0xa6: {  	[sflag:s22] =	ssyncadd.s32 s5;
	_ =	sdelay $0x1  }
0xa7: {  	s23 =	simm.s32 $0x1B8B  }
0xa8: {  	_ =	swait.ge [sflag:s23], $0x1  }
0xa9: {  	[sflag:s23] =	ssyncset.done $0x0  }
0xaa: {  	s25 =	simm.s32 $0x1B8E;
	s24 =	sld [smem:$0x3FFE];
	[sflag:s23] =	ssyncadd.s32 $0xFFFFFFFF  }
0xab: {  	s26 =	simm.s32 $execute0_lowered;
	[smem:$0x3FD2] =	sst s25  }
0xac: {  	s6 =	sshll.u32 s26, $0x1;
	_ =	strace $0x80000046;
	[dreg:$0x1] =	wrdreg $0xFFFFFFFF  }
0xad: {  	s28 =	simm.s32 $_size_execute0_lowered;
	s4 =	sadd.s32 s4, s6;
	[dreg:$0x0] =	wrdreg $0x0  }
0xae: {  	s6 =	sshll.u32 s28, $0x1;
	[dreg:$0x2] =	wrdreg s4  }
0xaf: {  	[dreg:$0x3] =	wrdreg s6  }
0xb0: {  	[dreg:$0x4] =	wrdreg $0xC0  }
0xb1: {  	_ =	task [dreg:s8], $0x5FFFF  }
0xb2: {  	[dreg:$0x1] =	wrdreg $0xFFFFFFFF  }
0xb3: {  	[dreg:$0x0] =	wrdreg $0x60  }
0xb4: {  	[dreg:$0x2] =	wrdreg s15  }
0xb5: {  	[dreg:$0x3] =	wrdreg s24  }
0xb6: {  	[dreg:$0x4] =	wrdreg s16  }
0xb7: {  	[dreg:$0x5] =	wrdreg $0x9  }
0xb8: {  	_ =	task.clear_ibuf [dreg:s8], $0x6FFFF;
	_ =	strace $0x90000046  }
0xb9: {  	s29 =	simm.s32 $0x9;
	_ =	strace $0x80000048  }
0xba: {  	_ =	swait.ge [sflag:s29], $0x1  }
0xbb: {  	[sflag:s29] =	ssyncadd.s32 $0xFFFFFFFF  }
0xbc: {  	_ =	strace $0x90000048  }
0xbd: {  	_ =	sfence  }
0xbe: {  	s30 =	sld [smem:$0x0];
	_ =	sdelay $0x2  }
0xbf: {  	s31 =	sshll.u32 s1, $0xD;
	s1 =	sshrl.u32 s1, $0x2  }
0xc0: {  	s3 =	sand.u32 $0x4000, s31;
	s1 =	sadd.s32 s1, s30  }
0xc1: {  	s0 =	sor.u32 s3, s0;
	s1 =	sshll.u32 s1, $0x11  }
0xc2: {  	s0 =	sor.u32 s1, s0  }
0xc3: {  	s0 =	sadd.s32 $0x8F2B, s0  }
0xc4: {  	[sflag:s0] =	ssyncadd.remote.s32 $0x1  }
0xc5: {  	_ =	sfence.sel $0xFFFF  }
0xc6: {  	[dreg:$0x0] =	wrdreg $0xFFFFFFFF;
	(pc) =	sbr.abs _section_cstart, $3  }
0xc7: {  	[dreg:$0x1] =	wrdreg $0xFFFFFFFF  }
0xc8: {  	_ =	task.clear_ibuf [dreg:s8], $0x2FFFF;
	_ =	strace $0x9FFFFFFF  }
0xc9: {  	(tm) =	ssettm $0x7FFFFFFF  }
tec
execute0_lowered:
.L_overlay_start_1:
0x0: {  	(tag) =	ssettag $0x1  }
0x1: {  	s1 =	rddreg [dreg:$0x0]  }
0x2: {  	s4 =	rddreg [dreg:$0x1]  }
0x3: {  	s5 =	rddreg [dreg:$0x2];
	s3 =	simm.s32 $0x0  }
0x4: {  	s26 =	simm.s32 $0xC900;
	[smem:$0x7FF] =	sst s3  }
0x5: {  	s8 =	simm.s32 $0xE900;
	_ =	strace $0x80000047;
	[dreg:$0x8] =	wrdreg s26  }
0x6: {  	s9 =	simm.s32 $0xF100;
	[dreg:$0xc] =	wrdreg s8  }
0x7: {  	s0 =	srdreg.scid;
	s10 =	simm.s32 $0xF900;
	[dreg:$0xd] =	wrdreg s9  }
0x8: {  	s2 =	stileid.u32;
	s11 =	simm.s32 $0x10100;
	[dreg:$0xe] =	wrdreg s10  }
0x9: {  	s12 =	simm.s32 $0x10900;
	s13 =	simm.s32 $0x11100;
	[dreg:$0xf] =	wrdreg s11  }
0xa: {  	s14 =	simm.s32 $0x11900;
	s15 =	simm.s32 $0x12100;
	[dreg:$0x10] =	wrdreg s12  }
0xb: {  	s16 =	simm.s32 $0x12900;
	s17 =	simm.s32 $0x13100;
	[dreg:$0x11] =	wrdreg s13  }
0xc: {  	s18 =	simm.s32 $0x13900;
	s19 =	simm.s32 $0x14100;
	[dreg:$0x12] =	wrdreg s14  }
0xd: {  	s20 =	simm.s32 $0x14900;
	s28 =	simm.s32 $0x6900;
	[dreg:$0x13] =	wrdreg s15  }
0xe: {  	s29 =	simm.s32 $0x7100;
	s30 =	simm.s32 $0x7900;
	[dreg:$0x14] =	wrdreg s16  }
0xf: {  	s0 =	sand.u32 $0x1, s0;
	s2 =	sshll.u32 s2, $0x1;
	[dreg:$0x15] =	wrdreg s17  }
0x10: {  	s31 =	simm.s32 $0x8100;
	s2 =	sor.u32 s0, s2;
	[dreg:$0x16] =	wrdreg s18  }
0x11: {  	s0 =	ssub.s32 $0x2, s0;
	s8 =	simm.s32 $0x3;
	[dreg:$0x17] =	wrdreg s19  }
0x12: {  	[dreg:$0x18] =	wrdreg s20;
	s26 =	simm.s32 $0x17900;
	s11 =	simm.s32 $0x1  }
0x13: {  	s15 =	simm.s32 $0x900;
	s16 =	simm.s32 $0x1100;
	s17 =	simm.s32 $0x1900  }
0x14: {  	s18 =	simm.s32 $0x2100;
	s19 =	simm.s32 $0x2900;
	s6 =	smul.u32 $0x12, s2  }
0x15: {  	s20 =	simm.s32 $0x3100;
	s10 =	simm.s32 $0x9900;
	s7 =	smul.u32 $0x24000, s2  }
0x16: {  	s12 =	simm.s32 $0xA100;
	s2 =	smul.u32 $0x4800, s2;
	s25 =	sshrl.u32 s0, $0x1  }
0x17: {  	[dreg:$0x1e] =	wrdreg s26;
	s0 =	ssub.s32 s0, s25;
	s25 =	simm.s32 $0x17100  }
0x18: {  	s26 =	simm.s32 $0x6100;
	s4 =	sadd.s32 s4, s6;
	[dreg:$0x1d] =	wrdreg s25  }
0x19: {  	s21 =	sshrl.u32 s7, $0x3;
	s2 =	sadd.s32 s5, s2;
	[dreg:$0x4] =	wrdreg s4  }
0x1a: {  	s6 =	simm.s32 $0xD900;
	s7 =	simm.s32 $0xE100;
	[dreg:$0x5] =	wrdreg s2  }
0x1b: {  	s25 =	simm.s32 $0x5900;
	s22 =	sadd.s32 s5, s21;
	[dreg:$0xa] =	wrdreg s6  }
0x1c: {  	s5 =	simm.s32 $0xD100;
	s4 =	sadd.s32 $0x100, s1;
	[dreg:$0xb] =	wrdreg s7  }
0x1d: {  	s6 =	sadd.s32 $0x300, s1;
	s21 =	simm.s32 $0x15100;
	[dreg:$0x9] =	wrdreg s5  }
0x1e: {  	s7 =	smax.u32 s0, $0x1;
	s23 =	sadd.s32 $0x1800, s22;
	[dreg:$0x19] =	wrdreg s21  }
0x1f: {  	s0 =	simm.s32 $0x100;
	s24 =	sadd.s32 $0x3000, s22;
	[dreg:$0x6] =	wrdreg s23  }
0x20: {  	s5 =	sadd.s32 $0x200, s1;
	s22 =	simm.s32 $0x15900;
	[dreg:$0x7] =	wrdreg s24  }
0x21: {  	v2 =	vlaneseq.u32;
	s21 =	simm.s32 $0x3900;
	[dreg:$0x1a] =	wrdreg s22;
	s23 =	simm.s32 $0x16100  }
0x22: {  	vm0 =	vmmov $0xffff;
	v1 =	vshrl.u32 v2, $0x3;
	s24 =	simm.s32 $0x16900;
	s22 =	simm.s32 $0x4100;
	[dreg:$0x1b] =	wrdreg s23  }
0x23: {  	v0 =	vand.u32 $0x7, v2;
	v2 =	vor.u32 $0x8, v2;
	v1 =	vmul.u32 $0x8, v1;
	[dreg:$0x1c] =	wrdreg s24;
	s23 =	simm.s32 $0x4900;
	s24 =	simm.s32 $0x5100  }
.LBB2_1:
0x24: {  	s13 =	rddreg [dreg:$0x4]  }
0x25: {  	[tilespmem:s3], [sflag:$0x3] =	stream.linear.gather [hbm4b:s13+s3], $0x90, $0x38;
	[tilespmem:$0x18100] =	vst v63  }
0x26: {  	_ =	swait.ge [sflag:s8], $0x90  }
0x27: {  	[sflag:s8] =	ssyncset.done $0x0  }
0x28: {  	[sflag:s8] =	ssyncadd.s32 $0xFFFFFF70  }
0x29: {  	v3 =	vld [tilespmem:$0x0];
	_ =	sdelay $0x4  }
0x2a: {  	v4 =	vshll.u32 v3, $0x3  }
0x2b: {  	v3 =	vand.u32 $0x7, v3;
	v4 =	vand.u32 $0xFFFFFFC0, v4  }
0x2c: {  	v3 =	vor.u32 v3, v4  }
0x2d: {  	v4 =	vperm.xlane v3, v0;
	_ =	sdelay $0x1  }
0x2e: {  	v4 =	vadd.s32 v1, v4;
	_ =	sdelay $0x4  }
0x2f: {  	[tilespmem:s0], [sflag:$0x1] =	stream.indirect_vreg.gather [hbm4b:s1+s3], $0x80, v4, vm0, $0xb8;
	[tilespmem:$0x18100] =	vst v63  }
0x30: {  	v3 =	vperm.xlane v3, v2  }
0x31: {  	[tilespmem:s15], [sflag:$0x1] =	stream.indirect_vreg.gather [hbm4b:s4+s3], $0x80, v4, vm0, $0xb8;
	[tilespmem:$0x18100] =	vst v63  }
0x32: {  	v3 =	vadd.s32 v1, v3  }
0x33: {  	[tilespmem:s16], [sflag:$0x1] =	stream.indirect_vreg.gather [hbm4b:s5+s3], $0x80, v4, vm0, $0xb8;
	[tilespmem:$0x18100] =	vst v63  }
0x34: {  	_ = 	snop  }
0x35: {  	[tilespmem:s17], [sflag:$0x1] =	stream.indirect_vreg.gather [hbm4b:s6+s3], $0x80, v4, vm0, $0xb8;
	[tilespmem:$0x18100] =	vst v63  }
0x36: {  	_ = 	snop  }
0x37: {  	[tilespmem:s18], [sflag:$0x1] =	stream.indirect_vreg.gather [hbm4b:s1+s3], $0x80, v3, vm0, $0xb8;
	[tilespmem:$0x18100] =	vst v63  }
0x38: {  	_ = 	snop  }
0x39: {  	[tilespmem:s19], [sflag:$0x1] =	stream.indirect_vreg.gather [hbm4b:s4+s3], $0x80, v3, vm0, $0xb8;
	[tilespmem:$0x18100] =	vst v63  }
0x3a: {  	_ = 	snop  }
0x3b: {  	[tilespmem:s20], [sflag:$0x1] =	stream.indirect_vreg.gather [hbm4b:s5+s3], $0x80, v3, vm0, $0xb8;
	[tilespmem:$0x18100] =	vst v63  }
0x3c: {  	_ = 	snop  }
0x3d: {  	[tilespmem:s21], [sflag:$0x1] =	stream.indirect_vreg.gather [hbm4b:s6+s3], $0x80, v3, vm0, $0xb8;
	[tilespmem:$0x18100] =	vst v63  }
0x3e: {  	v3 =	vld [tilespmem:$0x10];
	_ =	sdelay $0x4  }
0x3f: {  	v56 =	vshll.u32 v3, $0x3  }
0x40: {  	v3 =	vand.u32 $0x7, v3;
	v4 =	vand.u32 $0xFFFFFFC0, v56  }
0x41: {  	v3 =	vor.u32 v3, v4  }
0x42: {  	v4 =	vperm.xlane v3, v0;
	_ =	sdelay $0x1  }
0x43: {  	v4 =	vadd.s32 v1, v4;
	_ =	sdelay $0x4  }
0x44: {  	[tilespmem:s22], [sflag:$0x1] =	stream.indirect_vreg.gather [hbm4b:s1+s3], $0x80, v4, vm0, $0xb8;
	[tilespmem:$0x18100] =	vst v63  }
0x45: {  	v3 =	vperm.xlane v3, v2  }
0x46: {  	[tilespmem:s23], [sflag:$0x1] =	stream.indirect_vreg.gather [hbm4b:s4+s3], $0x80, v4, vm0, $0xb8;
	[tilespmem:$0x18100] =	vst v63  }
0x47: {  	v3 =	vadd.s32 v1, v3  }
0x48: {  	[tilespmem:s24], [sflag:$0x1] =	stream.indirect_vreg.gather [hbm4b:s5+s3], $0x80, v4, vm0, $0xb8;
	[tilespmem:$0x18100] =	vst v63  }
0x49: {  	_ = 	snop  }
0x4a: {  	[tilespmem:s25], [sflag:$0x1] =	stream.indirect_vreg.gather [hbm4b:s6+s3], $0x80, v4, vm0, $0xb8;
	[tilespmem:$0x18100] =	vst v63  }
0x4b: {  	_ = 	snop  }
0x4c: {  	[tilespmem:s26], [sflag:$0x1] =	stream.indirect_vreg.gather [hbm4b:s1+s3], $0x80, v3, vm0, $0xb8;
	[tilespmem:$0x18100] =	vst v63  }
0x4d: {  	_ = 	snop  }
0x4e: {  	[tilespmem:s28], [sflag:$0x1] =	stream.indirect_vreg.gather [hbm4b:s4+s3], $0x80, v3, vm0, $0xb8;
	[tilespmem:$0x18100] =	vst v63  }
0x4f: {  	_ = 	snop  }
0x50: {  	[tilespmem:s29], [sflag:$0x1] =	stream.indirect_vreg.gather [hbm4b:s5+s3], $0x80, v3, vm0, $0xb8;
	[tilespmem:$0x18100] =	vst v63  }
0x51: {  	_ = 	snop  }
0x52: {  	[tilespmem:s30], [sflag:$0x1] =	stream.indirect_vreg.gather [hbm4b:s6+s3], $0x80, v3, vm0, $0xb8;
	[tilespmem:$0x18100] =	vst v63  }
0x53: {  	v3 =	vld [tilespmem:$0x20];
	_ =	sdelay $0x4  }
0x54: {  	v57 =	vshll.u32 v3, $0x3  }
0x55: {  	v3 =	vand.u32 $0x7, v3;
	v4 =	vand.u32 $0xFFFFFFC0, v57  }
0x56: {  	v3 =	vor.u32 v3, v4  }
0x57: {  	v4 =	vperm.xlane v3, v0;
	_ =	sdelay $0x1  }
0x58: {  	v4 =	vadd.s32 v1, v4;
	_ =	sdelay $0x4  }
0x59: {  	[tilespmem:s31], [sflag:$0x1] =	stream.indirect_vreg.gather [hbm4b:s1+s3], $0x80, v4, vm0, $0xb8;
	[tilespmem:$0x18100] =	vst v63  }
0x5a: {  	s2 =	simm.s32 $0x8900;
	v3 =	vperm.xlane v3, v2  }
0x5b: {  	[tilespmem:s2], [sflag:$0x1] =	stream.indirect_vreg.gather [hbm4b:s4+s3], $0x80, v4, vm0, $0xb8;
	[tilespmem:$0x18100] =	vst v63  }
0x5c: {  	s13 =	simm.s32 $0x9100;
	v3 =	vadd.s32 v1, v3  }
0x5d: {  	[tilespmem:s13], [sflag:$0x1] =	stream.indirect_vreg.gather [hbm4b:s5+s3], $0x80, v4, vm0, $0xb8;
	[tilespmem:$0x18100] =	vst v63  }
0x5e: {  	_ = 	snop  }
0x5f: {  	[tilespmem:s10], [sflag:$0x1] =	stream.indirect_vreg.gather [hbm4b:s6+s3], $0x80, v4, vm0, $0xb8;
	[tilespmem:$0x18100] =	vst v63  }
0x60: {  	_ = 	snop  }
0x61: {  	[tilespmem:s12], [sflag:$0x1] =	stream.indirect_vreg.gather [hbm4b:s1+s3], $0x80, v3, vm0, $0xb8;
	[tilespmem:$0x18100] =	vst v63  }
0x62: {  	s9 =	simm.s32 $0xA900  }
0x63: {  	[tilespmem:s9], [sflag:$0x1] =	stream.indirect_vreg.gather [hbm4b:s4+s3], $0x80, v3, vm0, $0xb8;
	[tilespmem:$0x18100] =	vst v63  }
0x64: {  	s14 =	simm.s32 $0xB100  }
0x65: {  	[tilespmem:s14], [sflag:$0x1] =	stream.indirect_vreg.gather [hbm4b:s5+s3], $0x80, v3, vm0, $0xb8;
	[tilespmem:$0x18100] =	vst v63  }
0x66: {  	s13 =	simm.s32 $0xB900  }
0x67: {  	[tilespmem:s13], [sflag:$0x1] =	stream.indirect_vreg.gather [hbm4b:s6+s3], $0x80, v3, vm0, $0xb8;
	[tilespmem:$0x18100] =	vst v63  }
0x68: {  	v3 =	vld [tilespmem:$0x30];
	_ =	sdelay $0x4  }
0x69: {  	v58 =	vshll.u32 v3, $0x3  }
0x6a: {  	v3 =	vand.u32 $0x7, v3;
	v4 =	vand.u32 $0xFFFFFFC0, v58  }
0x6b: {  	v3 =	vor.u32 v3, v4  }
0x6c: {  	v4 =	vperm.xlane v3, v0;
	_ =	sdelay $0x1  }
0x6d: {  	v4 =	vadd.s32 v1, v4;
	_ =	sdelay $0x3  }
0x6e: {  	s2 =	simm.s32 $0xC100  }
0x6f: {  	[tilespmem:s2], [sflag:$0x2] =	stream.indirect_vreg.gather [hbm4b:s1+s3], $0x80, v4, vm0, $0xb8;
	[tilespmem:$0x18100] =	vst v63  }
0x70: {  	s13 =	rddreg [dreg:$0x8];
	v3 =	vperm.xlane v3, v2  }
0x71: {  	[tilespmem:s13], [sflag:$0x2] =	stream.indirect_vreg.gather [hbm4b:s4+s3], $0x80, v4, vm0, $0xb8;
	[tilespmem:$0x18100] =	vst v63  }
0x72: {  	s14 =	rddreg [dreg:$0x9];
	v3 =	vadd.s32 v1, v3  }
0x73: {  	[tilespmem:s14], [sflag:$0x2] =	stream.indirect_vreg.gather [hbm4b:s5+s3], $0x80, v4, vm0, $0xb8;
	[tilespmem:$0x18100] =	vst v63  }
0x74: {  	s13 =	rddreg [dreg:$0xa]  }
0x75: {  	[tilespmem:s13], [sflag:$0x2] =	stream.indirect_vreg.gather [hbm4b:s6+s3], $0x80, v4, vm0, $0xb8;
	[tilespmem:$0x18100] =	vst v63  }
0x76: {  	s14 =	rddreg [dreg:$0xb]  }
0x77: {  	[tilespmem:s14], [sflag:$0x2] =	stream.indirect_vreg.gather [hbm4b:s1+s3], $0x80, v3, vm0, $0xb8;
	[tilespmem:$0x18100] =	vst v63  }
0x78: {  	s13 =	rddreg [dreg:$0xc]  }
0x79: {  	[tilespmem:s13], [sflag:$0x2] =	stream.indirect_vreg.gather [hbm4b:s4+s3], $0x80, v3, vm0, $0xb8;
	[tilespmem:$0x18100] =	vst v63  }
0x7a: {  	s14 =	rddreg [dreg:$0xd]  }
0x7b: {  	[tilespmem:s14], [sflag:$0x2] =	stream.indirect_vreg.gather [hbm4b:s5+s3], $0x80, v3, vm0, $0xb8;
	[tilespmem:$0x18100] =	vst v63  }
0x7c: {  	s13 =	rddreg [dreg:$0xe]  }
0x7d: {  	[tilespmem:s13], [sflag:$0x2] =	stream.indirect_vreg.gather [hbm4b:s6+s3], $0x80, v3, vm0, $0xb8;
	[tilespmem:$0x18100] =	vst v63  }
0x7e: {  	v3 =	vld [tilespmem:$0x40];
	_ =	sdelay $0x4  }
0x7f: {  	v59 =	vshll.u32 v3, $0x3  }
0x80: {  	v3 =	vand.u32 $0x7, v3;
	v4 =	vand.u32 $0xFFFFFFC0, v59  }
0x81: {  	v3 =	vor.u32 v3, v4  }
0x82: {  	v4 =	vperm.xlane v3, v0;
	_ =	sdelay $0x1  }
0x83: {  	v4 =	vadd.s32 v1, v4;
	_ =	sdelay $0x3  }
0x84: {  	s13 =	rddreg [dreg:$0xf]  }
0x85: {  	[tilespmem:s13], [sflag:$0x2] =	stream.indirect_vreg.gather [hbm4b:s1+s3], $0x80, v4, vm0, $0xb8;
	[tilespmem:$0x18100] =	vst v63  }
0x86: {  	s14 =	rddreg [dreg:$0x10];
	v3 =	vperm.xlane v3, v2  }
0x87: {  	[tilespmem:s14], [sflag:$0x2] =	stream.indirect_vreg.gather [hbm4b:s4+s3], $0x80, v4, vm0, $0xb8;
	[tilespmem:$0x18100] =	vst v63  }
0x88: {  	v3 =	vadd.s32 v1, v3;
	s13 =	rddreg [dreg:$0x11]  }
0x89: {  	[tilespmem:s13], [sflag:$0x2] =	stream.indirect_vreg.gather [hbm4b:s5+s3], $0x80, v4, vm0, $0xb8;
	[tilespmem:$0x18100] =	vst v63  }
0x8a: {  	s14 =	rddreg [dreg:$0x12]  }
0x8b: {  	[tilespmem:s14], [sflag:$0x2] =	stream.indirect_vreg.gather [hbm4b:s6+s3], $0x80, v4, vm0, $0xb8;
	[tilespmem:$0x18100] =	vst v63  }
0x8c: {  	s13 =	rddreg [dreg:$0x13]  }
0x8d: {  	[tilespmem:s13], [sflag:$0x2] =	stream.indirect_vreg.gather [hbm4b:s1+s3], $0x80, v3, vm0, $0xb8;
	[tilespmem:$0x18100] =	vst v63  }
0x8e: {  	s14 =	rddreg [dreg:$0x14]  }
0x8f: {  	[tilespmem:s14], [sflag:$0x2] =	stream.indirect_vreg.gather [hbm4b:s4+s3], $0x80, v3, vm0, $0xb8;
	[tilespmem:$0x18100] =	vst v63  }
0x90: {  	s13 =	rddreg [dreg:$0x15]  }
0x91: {  	[tilespmem:s13], [sflag:$0x2] =	stream.indirect_vreg.gather [hbm4b:s5+s3], $0x80, v3, vm0, $0xb8;
	[tilespmem:$0x18100] =	vst v63  }
0x92: {  	s14 =	rddreg [dreg:$0x16]  }
0x93: {  	[tilespmem:s14], [sflag:$0x2] =	stream.indirect_vreg.gather [hbm4b:s6+s3], $0x80, v3, vm0, $0xb8;
	[tilespmem:$0x18100] =	vst v63  }
0x94: {  	v3 =	vld [tilespmem:$0x50];
	_ =	sdelay $0x4  }
0x95: {  	v60 =	vshll.u32 v3, $0x3  }
0x96: {  	v3 =	vand.u32 $0x7, v3;
	v4 =	vand.u32 $0xFFFFFFC0, v60  }
0x97: {  	v3 =	vor.u32 v3, v4  }
0x98: {  	v4 =	vperm.xlane v3, v0;
	_ =	sdelay $0x1  }
0x99: {  	v4 =	vadd.s32 v1, v4;
	_ =	sdelay $0x3  }
0x9a: {  	s13 =	rddreg [dreg:$0x17]  }
0x9b: {  	[tilespmem:s13], [sflag:$0x2] =	stream.indirect_vreg.gather [hbm4b:s1+s3], $0x80, v4, vm0, $0xb8;
	[tilespmem:$0x18100] =	vst v63  }
0x9c: {  	s14 =	rddreg [dreg:$0x18];
	v3 =	vperm.xlane v3, v2  }
0x9d: {  	[tilespmem:s14], [sflag:$0x2] =	stream.indirect_vreg.gather [hbm4b:s4+s3], $0x80, v4, vm0, $0xb8;
	[tilespmem:$0x18100] =	vst v63  }
0x9e: {  	v3 =	vadd.s32 v1, v3;
	s13 =	rddreg [dreg:$0x19]  }
0x9f: {  	[tilespmem:s13], [sflag:$0x2] =	stream.indirect_vreg.gather [hbm4b:s5+s3], $0x80, v4, vm0, $0xb8;
	[tilespmem:$0x18100] =	vst v63  }
0xa0: {  	s14 =	rddreg [dreg:$0x1a]  }
0xa1: {  	[tilespmem:s14], [sflag:$0x2] =	stream.indirect_vreg.gather [hbm4b:s6+s3], $0x80, v4, vm0, $0xb8;
	[tilespmem:$0x18100] =	vst v63  }
0xa2: {  	s13 =	rddreg [dreg:$0x1b]  }
0xa3: {  	[tilespmem:s13], [sflag:$0x2] =	stream.indirect_vreg.gather [hbm4b:s1+s3], $0x80, v3, vm0, $0xb8;
	[tilespmem:$0x18100] =	vst v63  }
0xa4: {  	s14 =	rddreg [dreg:$0x1c]  }
0xa5: {  	[tilespmem:s14], [sflag:$0x2] =	stream.indirect_vreg.gather [hbm4b:s4+s3], $0x80, v3, vm0, $0xb8;
	[tilespmem:$0x18100] =	vst v63  }
0xa6: {  	s13 =	rddreg [dreg:$0x1d]  }
0xa7: {  	[tilespmem:s13], [sflag:$0x2] =	stream.indirect_vreg.gather [hbm4b:s5+s3], $0x80, v3, vm0, $0xb8;
	[tilespmem:$0x18100] =	vst v63  }
0xa8: {  	s14 =	rddreg [dreg:$0x1e]  }
0xa9: {  	[tilespmem:s14], [sflag:$0x2] =	stream.indirect_vreg.gather [hbm4b:s6+s3], $0x80, v3, vm0, $0xb8;
	[tilespmem:$0x18100] =	vst v63  }
0xaa: {  	_ =	swait.ge [sflag:s11], $0xC000  }
0xab: {  	[sflag:s11] =	ssyncset.done $0x0  }
0xac: {  	s14 =	rddreg [dreg:$0x5];
	[sflag:s11] =	ssyncadd.s32 $0xFFFF4000  }
0xad: {  	[hbm4b:s14+s3] =	stream.linear.scatter [tilespmem:s0], [sflag:$0x3], $0xC000, $0x38;
	[tilespmem:$0x18100] =	vst v63  }
0xae: {  	_ =	swait.ge [sflag:s8], $0xC000  }
0xaf: {  	[sflag:s8] =	ssyncset.done $0x0  }
0xb0: {  	[sflag:s8] =	ssyncadd.s32 $0xFFFF4000  }
0xb1: {  	v3 =	vld [tilespmem:$0x60];
	_ =	sdelay $0x4  }
0xb2: {  	v61 =	vshll.u32 v3, $0x3  }
0xb3: {  	v3 =	vand.u32 $0x7, v3;
	v4 =	vand.u32 $0xFFFFFFC0, v61  }
0xb4: {  	v3 =	vor.u32 v3, v4  }
0xb5: {  	v4 =	vperm.xlane v3, v0;
	_ =	sdelay $0x1  }
0xb6: {  	v4 =	vadd.s32 v1, v4;
	_ =	sdelay $0x4  }
0xb7: {  	[tilespmem:s0], [sflag:$0x1] =	stream.indirect_vreg.gather [hbm4b:s1+s3], $0x80, v4, vm0, $0xb8;
	[tilespmem:$0x18100] =	vst v63  }
0xb8: {  	v3 =	vperm.xlane v3, v2  }
0xb9: {  	[tilespmem:s15], [sflag:$0x1] =	stream.indirect_vreg.gather [hbm4b:s4+s3], $0x80, v4, vm0, $0xb8;
	[tilespmem:$0x18100] =	vst v63  }
0xba: {  	v3 =	vadd.s32 v1, v3  }
0xbb: {  	[tilespmem:s16], [sflag:$0x1] =	stream.indirect_vreg.gather [hbm4b:s5+s3], $0x80, v4, vm0, $0xb8;
	[tilespmem:$0x18100] =	vst v63  }
0xbc: {  	_ = 	snop  }
0xbd: {  	[tilespmem:s17], [sflag:$0x1] =	stream.indirect_vreg.gather [hbm4b:s6+s3], $0x80, v4, vm0, $0xb8;
	[tilespmem:$0x18100] =	vst v63  }
0xbe: {  	_ = 	snop  }
0xbf: {  	[tilespmem:s18], [sflag:$0x1] =	stream.indirect_vreg.gather [hbm4b:s1+s3], $0x80, v3, vm0, $0xb8;
	[tilespmem:$0x18100] =	vst v63  }
0xc0: {  	_ = 	snop  }
0xc1: {  	[tilespmem:s19], [sflag:$0x1] =	stream.indirect_vreg.gather [hbm4b:s4+s3], $0x80, v3, vm0, $0xb8;
	[tilespmem:$0x18100] =	vst v63  }
0xc2: {  	_ = 	snop  }
0xc3: {  	[tilespmem:s20], [sflag:$0x1] =	stream.indirect_vreg.gather [hbm4b:s5+s3], $0x80, v3, vm0, $0xb8;
	[tilespmem:$0x18100] =	vst v63  }
0xc4: {  	_ = 	snop  }
0xc5: {  	[tilespmem:s21], [sflag:$0x1] =	stream.indirect_vreg.gather [hbm4b:s6+s3], $0x80, v3, vm0, $0xb8;
	[tilespmem:$0x18100] =	vst v63  }
0xc6: {  	v3 =	vld [tilespmem:$0x70];
	_ =	sdelay $0x4  }
0xc7: {  	v62 =	vshll.u32 v3, $0x3  }
0xc8: {  	v3 =	vand.u32 $0x7, v3;
	v4 =	vand.u32 $0xFFFFFFC0, v62  }
0xc9: {  	v3 =	vor.u32 v3, v4  }
0xca: {  	v4 =	vperm.xlane v3, v0;
	_ =	sdelay $0x1  }
0xcb: {  	v4 =	vadd.s32 v1, v4;
	_ =	sdelay $0x4  }
0xcc: {  	[tilespmem:s22], [sflag:$0x1] =	stream.indirect_vreg.gather [hbm4b:s1+s3], $0x80, v4, vm0, $0xb8;
	[tilespmem:$0x18100] =	vst v63  }
0xcd: {  	v3 =	vperm.xlane v3, v2  }
0xce: {  	[tilespmem:s23], [sflag:$0x1] =	stream.indirect_vreg.gather [hbm4b:s4+s3], $0x80, v4, vm0, $0xb8;
	[tilespmem:$0x18100] =	vst v63  }
0xcf: {  	v3 =	vadd.s32 v1, v3  }
0xd0: {  	[tilespmem:s24], [sflag:$0x1] =	stream.indirect_vreg.gather [hbm4b:s5+s3], $0x80, v4, vm0, $0xb8;
	[tilespmem:$0x18100] =	vst v63  }
0xd1: {  	_ = 	snop  }
0xd2: {  	[tilespmem:s25], [sflag:$0x1] =	stream.indirect_vreg.gather [hbm4b:s6+s3], $0x80, v4, vm0, $0xb8;
	[tilespmem:$0x18100] =	vst v63  }
0xd3: {  	_ = 	snop  }
0xd4: {  	[tilespmem:s26], [sflag:$0x1] =	stream.indirect_vreg.gather [hbm4b:s1+s3], $0x80, v3, vm0, $0xb8;
	[tilespmem:$0x18100] =	vst v63  }
0xd5: {  	_ = 	snop  }
0xd6: {  	[tilespmem:s28], [sflag:$0x1] =	stream.indirect_vreg.gather [hbm4b:s4+s3], $0x80, v3, vm0, $0xb8;
	[tilespmem:$0x18100] =	vst v63  }
0xd7: {  	_ = 	snop  }
0xd8: {  	[tilespmem:s29], [sflag:$0x1] =	stream.indirect_vreg.gather [hbm4b:s5+s3], $0x80, v3, vm0, $0xb8;
	[tilespmem:$0x18100] =	vst v63  }
0xd9: {  	_ = 	snop  }
0xda: {  	[tilespmem:s30], [sflag:$0x1] =	stream.indirect_vreg.gather [hbm4b:s6+s3], $0x80, v3, vm0, $0xb8;
	[tilespmem:$0x18100] =	vst v63  }
0xdb: {  	v3 =	vld [tilespmem:$0x80];
	_ =	sdelay $0x4  }
0xdc: {  	v63 =	vshll.u32 v3, $0x3  }
0xdd: {  	v3 =	vand.u32 $0x7, v3;
	v4 =	vand.u32 $0xFFFFFFC0, v63  }
0xde: {  	v3 =	vor.u32 v3, v4  }
0xdf: {  	v4 =	vperm.xlane v3, v0;
	_ =	sdelay $0x1  }
0xe0: {  	v4 =	vadd.s32 v1, v4;
	_ =	sdelay $0x4  }
0xe1: {  	[tilespmem:s31], [sflag:$0x1] =	stream.indirect_vreg.gather [hbm4b:s1+s3], $0x80, v4, vm0, $0xb8;
	[tilespmem:$0x18100] =	vst v63  }
0xe2: {  	s14 =	simm.s32 $0x8900;
	v3 =	vperm.xlane v3, v2  }
0xe3: {  	[tilespmem:s14], [sflag:$0x1] =	stream.indirect_vreg.gather [hbm4b:s4+s3], $0x80, v4, vm0, $0xb8;
	[tilespmem:$0x18100] =	vst v63  }
0xe4: {  	v3 =	vadd.s32 v1, v3;
	s14 =	simm.s32 $0x9100  }
0xe5: {  	[tilespmem:s14], [sflag:$0x1] =	stream.indirect_vreg.gather [hbm4b:s5+s3], $0x80, v4, vm0, $0xb8;
	[tilespmem:$0x18100] =	vst v63  }
0xe6: {  	_ = 	snop  }
0xe7: {  	[tilespmem:s10], [sflag:$0x1] =	stream.indirect_vreg.gather [hbm4b:s6+s3], $0x80, v4, vm0, $0xb8;
	[tilespmem:$0x18100] =	vst v63  }
0xe8: {  	_ = 	snop  }
0xe9: {  	[tilespmem:s12], [sflag:$0x1] =	stream.indirect_vreg.gather [hbm4b:s1+s3], $0x80, v3, vm0, $0xb8;
	[tilespmem:$0x18100] =	vst v63  }
0xea: {  	_ = 	snop  }
0xeb: {  	[tilespmem:s9], [sflag:$0x1] =	stream.indirect_vreg.gather [hbm4b:s4+s3], $0x80, v3, vm0, $0xb8;
	[tilespmem:$0x18100] =	vst v63  }
0xec: {  	s13 =	simm.s32 $0xB100  }
0xed: {  	[tilespmem:s13], [sflag:$0x1] =	stream.indirect_vreg.gather [hbm4b:s5+s3], $0x80, v3, vm0, $0xb8;
	[tilespmem:$0x18100] =	vst v63  }
0xee: {  	s14 =	simm.s32 $0xB900;
	s13 =	simm.s32 $0x2  }
0xef: {  	[tilespmem:s14], [sflag:$0x1] =	stream.indirect_vreg.gather [hbm4b:s6+s3], $0x80, v3, vm0, $0xb8;
	[tilespmem:$0x18100] =	vst v63  }
0xf0: {  	_ =	swait.ge [sflag:s13], $0xC000  }
0xf1: {  	[sflag:s13] =	ssyncset.done $0x0  }
0xf2: {  	s14 =	rddreg [dreg:$0x6];
	[sflag:s13] =	ssyncadd.s32 $0xFFFF4000  }
0xf3: {  	[hbm4b:s14+s3] =	stream.linear.scatter [tilespmem:s2], [sflag:$0x3], $0xC000, $0x38;
	[tilespmem:$0x18100] =	vst v63  }
0xf4: {  	_ =	swait.ge [sflag:s8], $0xC000  }
0xf5: {  	[sflag:s8] =	ssyncset.done $0x0  }
0xf6: {  	[sflag:s8] =	ssyncadd.s32 $0xFFFF4000  }
0xf7: {  	_ =	swait.ge [sflag:s11], $0xC000  }
0xf8: {  	p0 =	sne.s32 s7, $0x1;
	[sflag:s11] =	ssyncset.done $0x0  }
.Ltmp0:
0xf9: {  	s14 =	rddreg [dreg:$0x7];
	[sflag:s11] =	ssyncadd.s32 $0xFFFF4000;
	(pc) =	sbr.rel @p0 .LBB2_1-.Ltmp0, $4  }
0xfa: {  	[hbm4b:s14+s3] =	stream.linear.scatter [tilespmem:s0], [sflag:$0x3], $0xC000, $0x38;
	[tilespmem:$0x18100] =	vst v63  }
0xfb: {  	_ =	swait.ge [sflag:s8], $0xC000  }
0xfc: {  	[sflag:s8] =	ssyncset.done $0x0  }
0xfd: {  	s7 =	sadd.s32 $0xFFFFFFFF, s7;
	[sflag:s8] =	ssyncadd.s32 $0xFFFF4000  }
0xfe: {  	_ =	sfence.sel $0x180000  }
0xff: {  	[bflag:$0x0] =	sbarrier.arrive $0xFFFF  }
0x100: {  	_ =	strace $0x90000047  }
0x101: {  	s0 =	stileid.u32;
	[bflag:$0x2] =	sbarrier.arrive $0xFFFF  }
0x102: {  	p0 =	sne.s32 s0, $0x0;
	s0 =	rddreg [dreg:$0x3]  }
0x103: {  	s0 =	sadd.s32 @!p0 $0x100000, s0  }
0x104: {  	[sflag:s0] =	ssyncadd.tile.s32 @!p0 $0x1;
	_ =	shalt  }
.Lfunc_end2:
_tile_overlayer_lowered:
.L_overlay_start_2:
0x105: {  	(tag) =	ssettag $0x2  }
0x106: {  	s0 =	rddreg [dreg:$0x0];
	s2 =	stileid.u32  }
0x107: {  	s1 =	rddreg [dreg:$0x1];
	p0 =	sne.s32 s2, $0x0  }
0x108: {  	s3 =	rddreg [dreg:$0x2];
	[bflag:$0x3] =	sbarrier.arrive $0xFFFF;
	s2 =	simm.s32 @!p0 $0x1C03  }
0x109: {  	[timem:s3], [sflag:s2] =	dma.local @!p0 [hbm:s0], s1  }
0x10a: {  	s0 =	simm.s32 @!p0 $0x3  }
0x10b: {  	_ =	swait.ge @!p0 [sflag:s0], s1  }
0x10c: {  	s1 =	ssub.s32 @!p0 $0x0, s1;
	[sflag:s0] =	ssyncset.done @!p0 $0x0  }
0x10d: {  	[sflag:s0] =	ssyncadd.s32 @!p0 s1  }
0x10e: {  	[bflag:$0x3] =	sbarrier.arrive $0xFFFF  }
0x10f: {  	_ =	shalt  }

</sc_bundles>
